<compile_context>
chip_gen: v7x
topology: tpu7x:2x2x1
jax: 0.10.2.dev20260603
libtpu: 0.0.44.dev20260713+nightly
codegen_flags: <defaults>
</compile_context>

<pallas_src>
import functools

import jax
import jax.numpy as jnp
from jax import lax
from jax.experimental import pallas as pl
from jax.experimental.pallas import tpu as pltpu
from jax.experimental.pallas import tpu_sc as plsc

B, T, V, D, H = 4096, 200, 1000000, 32, 128

_NC, _NS = 2, 16
_NW = _NC * _NS
_ROWS = B * T
_PER_W = _ROWS // _NW
_K = 8
_G = _K * 128
_ITERS = _PER_W // _G
_IDXR = _PER_W // 128


def _sc_gather(table, idx2d):
    mesh = plsc.VectorSubcoreMesh(core_axis_name="c", subcore_axis_name="s")

    @functools.partial(
        pl.kernel,
        mesh=mesh,
        compiler_params=pltpu.CompilerParams(use_tc_tiling_on_sc=False),
        out_type=jax.ShapeDtypeStruct((_ROWS, D), jnp.float32),
        scratch_types=[
            pltpu.VMEM((_IDXR, 128), jnp.int32),
            pltpu.VMEM((_G, D), jnp.float32),
            pltpu.SemaphoreType.DMA,
        ],
    )
    def k(table_hbm, idx_hbm, out_hbm, idx_v, rows_v, sem):
        wid = lax.axis_index("s") * _NC + lax.axis_index("c")
        row0 = wid * _PER_W
        irow0 = wid * _IDXR

        pltpu.sync_copy(idx_hbm.at[pl.ds(irow0, _IDXR)], idx_v)

        def body(i, carry):
            copies = []
            for j in range(_K):
                copies.append(
                    pltpu.async_copy(
                        table_hbm.at[idx_v.at[i * _K + j]],
                        rows_v.at[pl.ds(j * 128, 128)],
                        sem,
                    )
                )
            for cpy in copies:
                cpy.wait()
            pltpu.sync_copy(rows_v, out_hbm.at[pl.ds(row0 + i * _G, _G)])
            return carry

        lax.fori_loop(0, _ITERS, body, 0)

    return k(table, idx2d)


_BT = 1024
_NB = B // _BT


def _lstm_body(xs_ref, W_ref, U_ref, b_ref, Wd_ref, bd_ref, out_ref,
               h_scr, c_scr):
    t = pl.program_id(1)

    @pl.when(t == 0)
    def _():
        h_scr[...] = jnp.zeros_like(h_scr)
        c_scr[...] = jnp.zeros_like(c_scr)

    xt = xs_ref[0]
    h = h_scr[...]
    c = c_scr[...]
    z = (jnp.dot(xt, W_ref[...], preferred_element_type=jnp.float32)
         + jnp.dot(h, U_ref[...], preferred_element_type=jnp.float32)
         + b_ref[...])
    i_g = jax.nn.sigmoid(z[:, 0 * H:1 * H])
    f_g = jax.nn.sigmoid(z[:, 1 * H:2 * H])
    g_g = jnp.tanh(z[:, 2 * H:3 * H])
    o_g = jax.nn.sigmoid(z[:, 3 * H:4 * H])
    c_new = f_g * c + i_g * g_g
    h_new = o_g * jnp.tanh(c_new)
    h_scr[...] = h_new
    c_scr[...] = c_new

    @pl.when(t == T - 1)
    def _():
        out_ref[...] = jax.nn.sigmoid(
            jnp.dot(h_new, Wd_ref[...], preferred_element_type=jnp.float32)
            + bd_ref[...])


def _lstm(xs, W, U, b2, Wd, bd2):
    return pl.pallas_call(
        _lstm_body,
        grid=(_NB, T),
        in_specs=[
            pl.BlockSpec((1, _BT, D), lambda i, t: (t, i, 0)),
            pl.BlockSpec((D, 4 * H), lambda i, t: (0, 0)),
            pl.BlockSpec((H, 4 * H), lambda i, t: (0, 0)),
            pl.BlockSpec((1, 4 * H), lambda i, t: (0, 0)),
            pl.BlockSpec((H, 1), lambda i, t: (0, 0)),
            pl.BlockSpec((1, 1), lambda i, t: (0, 0)),
        ],
        out_specs=pl.BlockSpec((_BT, 1), lambda i, t: (i, 0)),
        out_shape=jax.ShapeDtypeStruct((B, 1), jnp.float32),
        scratch_shapes=[
            pltpu.VMEM((_BT, H), jnp.float32),
            pltpu.VMEM((_BT, H), jnp.float32),
        ],
    )(xs, W, U, b2, Wd, bd2)


def kernel(inputs, emb_table, W, U, b, Wd, bd):
    idx = jnp.asarray(inputs, jnp.int32).T.reshape(_ROWS // 128, 128)
    xs_flat = _sc_gather(emb_table, idx)
    xs = xs_flat.reshape(T, B, D)
    return _lstm(xs, W, U, b.reshape(1, 4 * H), Wd, bd.reshape(1, 1))

# --- scband reference (transcript-rebuilt; emitter-appended) ---
"""Pipeline reference for scband-text-rnn-27075473834281 (READ-ONLY COPY).

The authoritative reference and input builder live on the scoring server;
editing this copy changes nothing except your own understanding.
"""

import jax, jax.numpy as jnp
import numpy as np

B, T, V, D, H = 4096, 200, 1000000, 32, 128

def setup_inputs(seed: int = 0) -> dict:
    key = jax.random.key(seed)
    ks = jax.random.split(key, 8)
    inputs = jax.random.randint(ks[0], (B, T), 0, V, dtype=jnp.int64)
    emb_table = jax.random.normal(ks[1], (V, D), dtype=jnp.float32) * jnp.float32(0.05)
    W = jax.random.normal(ks[2], (D, 4 * H), dtype=jnp.float32) * jnp.float32(1.0 / np.sqrt(D))
    U = jax.random.normal(ks[3], (H, 4 * H), dtype=jnp.float32) * jnp.float32(1.0 / np.sqrt(H))
    b = jnp.zeros((4 * H,), dtype=jnp.float32)
    Wd = jax.random.normal(ks[4], (H, 1), dtype=jnp.float32) * jnp.float32(1.0 / np.sqrt(H))
    bd = jnp.zeros((1,), dtype=jnp.float32)
    return {"inputs": inputs, "emb_table": emb_table, "W": W, "U": U, "b": b, "Wd": Wd, "bd": bd}

def reference(inputs, emb_table, W, U, b, Wd, bd):
    # Embedding lookup (SparseCore gather)
    emb = jnp.take(emb_table, inputs, axis=0)  # [B, T, D]
    xs = jnp.transpose(emb, (1, 0, 2))  # [T, B, D]

    def step(carry, xt):
        h, c = carry
        z = xt @ W + h @ U + b  # [B, 4H]
        i = jax.nn.sigmoid(z[:, 0 * H:1 * H])
        f = jax.nn.sigmoid(z[:, 1 * H:2 * H])
        g = jnp.tanh(z[:, 2 * H:3 * H])
        o = jax.nn.sigmoid(z[:, 3 * H:4 * H])
        c_new = f * c + i * g
        h_new = o * jnp.tanh(c_new)
        return (h_new, c_new), None

    h0 = jnp.zeros((B, H), dtype=jnp.float32)
    c0 = jnp.zeros((B, H), dtype=jnp.float32)
    (hT, cT), _ = jax.lax.scan(step, (h0, c0), xs)
    out = jax.nn.sigmoid(hT @ Wd + bd)  # [B, 1]
    return out

if __name__ == "__main__":
    import jax
    _d = setup_inputs()
    print(jax.jit(kernel)(*tuple(_d.values())))

</pallas_src>

<mosaic_0001>
#map = affine_map<(d0, d1) -> (0, 0)>
module attributes {stable_mosaic.version = 14 : i64} {
  func.func @k(%arg0: i32, %arg1: i32, %arg2: memref<1000000x32xf32, #tpu.memory_space<hbm>>, %arg3: memref<6400x128xi32, #tpu.memory_space<hbm>>, %arg4: memref<819200x32xf32, #tpu.memory_space<hbm>>, %arg5: memref<200x128xi32, #tpu.memory_space<vmem>>, %arg6: memref<1024x32xf32, #tpu.memory_space<vmem>>, %arg7: memref<!tpu.dma_semaphore, #tpu.memory_space<semaphore_mem>>) attributes {dimension_semantics = [#tpu.dimension_semantics<core_parallel>, #tpu.dimension_semantics<subcore_parallel>], iteration_bounds = array<i64: 2, 16>, scalar_prefetch = 0 : i64, scratch_operands = 3 : i64, tpu.core_type = #tpu.core_type<sc_vector_subcore>, window_params = [{transform_indices = #map}, {transform_indices = #map}, {transform_indices = #map}]} {
    %mul3A = arith.constant 2 : i32
    %mul3A_0 = arith.muli %arg1, %mul3A : i32
    %add3A = arith.addi %mul3A_0, %arg0 : i32
    %mul3A_1 = arith.constant 25600 : i32
    %mul3A_2 = arith.muli %add3A, %mul3A_1 : i32
    %mul3A_3 = arith.constant 200 : i32
    %mul3A_4 = arith.muli %add3A, %mul3A_3 : i32
    "tpu.region"() ({
      %run_scoped3A = tpu.sem_alloc : memref<!tpu.dma_semaphore, #tpu.memory_space<semaphore_mem>>
      %dma_start3A = arith.constant 0 : i32
      %dma_start3A_10 = tpu.memref_slice %arg3[%mul3A_4, %dma_start3A] : memref<6400x128xi32, #tpu.memory_space<hbm>> -> memref<200x128xi32, #tpu.memory_space<hbm>>
      %dma_start3A_11 = arith.constant 0 : i32
      %dma_start3A_12 = tpu.memref_slice %arg3[%mul3A_4, %dma_start3A_11] : memref<6400x128xi32, #tpu.memory_space<hbm>> -> memref<200x128xi32, #tpu.memory_space<hbm>>
      tpu.enqueue_dma source(%dma_start3A_12 : memref<200x128xi32, #tpu.memory_space<hbm>>) target(%arg5 : memref<200x128xi32, #tpu.memory_space<vmem>>) target_semaphore(%run_scoped3A : memref<!tpu.dma_semaphore, #tpu.memory_space<semaphore_mem>>)
      %dma_wait3A = arith.constant 0 : i32
      %dma_wait3A_13 = tpu.memref_slice %arg3[%mul3A_4, %dma_wait3A] : memref<6400x128xi32, #tpu.memory_space<hbm>> -> memref<200x128xi32, #tpu.memory_space<hbm>>
      %dma_wait3A_14 = arith.constant 0 : i32
      %dma_wait3A_15 = tpu.memref_slice %arg3[%mul3A_4, %dma_wait3A_14] : memref<6400x128xi32, #tpu.memory_space<hbm>> -> memref<200x128xi32, #tpu.memory_space<hbm>>
      tpu.wait_dma2 semaphore(%run_scoped3A : memref<!tpu.dma_semaphore, #tpu.memory_space<semaphore_mem>>) src(%dma_wait3A_15 : memref<200x128xi32, #tpu.memory_space<hbm>>) dst(%arg5 : memref<200x128xi32, #tpu.memory_space<vmem>>)
      tpu.yield
    }) : () -> ()
    %scan3A = arith.constant 0 : i32
    %scan3A_5 = arith.constant 0 : i32
    %scan3A_6 = arith.constant 25 : i32
    %scan3A_7 = arith.addi %scan3A_5, %scan3A_6 : i32
    %scan3A_8 = arith.constant 1 : i32
    scf.for %scan3A_10 = %scan3A_5 to %scan3A_7 step %scan3A_8  : i32 {
      %mul3A_11 = arith.constant 8 : i32
      %mul3A_12 = arith.muli %scan3A_10, %mul3A_11 : i32
      %add3A_13 = arith.constant 0 : i32
      %add3A_14 = arith.addi %mul3A_12, %add3A_13 : i32
      %dma_start3A = arith.constant 0 : i32
      %dma_start3A_15 = arith.constant 0 : i32
      %dma_start3A_16 = tpu.memref_slice %arg6[%dma_start3A, %dma_start3A_15] : memref<1024x32xf32, #tpu.memory_space<vmem>> -> memref<128x32xf32, #tpu.memory_space<vmem>>
      %dma_start3A_17 = arith.constant 0 : i32
      %dma_start3A_18 = tpu.memref_slice %arg5[%add3A_14, %dma_start3A_17] : memref<200x128xi32, #tpu.memory_space<vmem>> -> memref<1x128xi32, #tpu.memory_space<vmem>>
      %dma_start3A_19 = tpu.memref_squeeze %dma_start3A_18 : memref<1x128xi32, #tpu.memory_space<vmem>> -> memref<128xi32, #tpu.memory_space<vmem>>
      %dma_start3A_20 = arith.constant 0 : i32
      %dma_start3A_21 = arith.constant 0 : i32
      %dma_start3A_22 = tpu.memref_slice %arg2[%dma_start3A_20, %dma_start3A_21] : memref<1000000x32xf32, #tpu.memory_space<hbm>> -> memref<1000000x32xf32, #tpu.memory_space<hbm>>
      tpu.enqueue_indirect_dma source(%dma_start3A_22 : memref<1000000x32xf32, #tpu.memory_space<hbm>>) target(%dma_start3A_16 : memref<128x32xf32, #tpu.memory_space<vmem>>) offsets(%dma_start3A_19 : memref<128xi32, #tpu.memory_space<vmem>>) semaphore(%arg7 : memref<!tpu.dma_semaphore, #tpu.memory_space<semaphore_mem>>)
      %mul3A_23 = arith.constant 8 : i32
      %mul3A_24 = arith.muli %scan3A_10, %mul3A_23 : i32
      %add3A_25 = arith.constant 1 : i32
      %add3A_26 = arith.addi %mul3A_24, %add3A_25 : i32
      %dma_start3A_27 = arith.constant 128 : i32
      %dma_start3A_28 = arith.constant 0 : i32
      %dma_start3A_29 = tpu.memref_slice %arg6[%dma_start3A_27, %dma_start3A_28] : memref<1024x32xf32, #tpu.memory_space<vmem>> -> memref<128x32xf32, #tpu.memory_space<vmem>>
      %dma_start3A_30 = arith.constant 0 : i32
      %dma_start3A_31 = tpu.memref_slice %arg5[%add3A_26, %dma_start3A_30] : memref<200x128xi32, #tpu.memory_space<vmem>> -> memref<1x128xi32, #tpu.memory_space<vmem>>
      %dma_start3A_32 = tpu.memref_squeeze %dma_start3A_31 : memref<1x128xi32, #tpu.memory_space<vmem>> -> memref<128xi32, #tpu.memory_space<vmem>>
      %dma_start3A_33 = arith.constant 0 : i32
      %dma_start3A_34 = arith.constant 0 : i32
      %dma_start3A_35 = tpu.memref_slice %arg2[%dma_start3A_33, %dma_start3A_34] : memref<1000000x32xf32, #tpu.memory_space<hbm>> -> memref<1000000x32xf32, #tpu.memory_space<hbm>>
      tpu.enqueue_indirect_dma source(%dma_start3A_35 : memref<1000000x32xf32, #tpu.memory_space<hbm>>) target(%dma_start3A_29 : memref<128x32xf32, #tpu.memory_space<vmem>>) offsets(%dma_start3A_32 : memref<128xi32, #tpu.memory_space<vmem>>) semaphore(%arg7 : memref<!tpu.dma_semaphore, #tpu.memory_space<semaphore_mem>>)
      %mul3A_36 = arith.constant 8 : i32
      %mul3A_37 = arith.muli %scan3A_10, %mul3A_36 : i32
      %add3A_38 = arith.constant 2 : i32
      %add3A_39 = arith.addi %mul3A_37, %add3A_38 : i32
      %dma_start3A_40 = arith.constant 256 : i32
      %dma_start3A_41 = arith.constant 0 : i32
      %dma_start3A_42 = tpu.memref_slice %arg6[%dma_start3A_40, %dma_start3A_41] : memref<1024x32xf32, #tpu.memory_space<vmem>> -> memref<128x32xf32, #tpu.memory_space<vmem>>
      %dma_start3A_43 = arith.constant 0 : i32
      %dma_start3A_44 = tpu.memref_slice %arg5[%add3A_39, %dma_start3A_43] : memref<200x128xi32, #tpu.memory_space<vmem>> -> memref<1x128xi32, #tpu.memory_space<vmem>>
      %dma_start3A_45 = tpu.memref_squeeze %dma_start3A_44 : memref<1x128xi32, #tpu.memory_space<vmem>> -> memref<128xi32, #tpu.memory_space<vmem>>
      %dma_start3A_46 = arith.constant 0 : i32
      %dma_start3A_47 = arith.constant 0 : i32
      %dma_start3A_48 = tpu.memref_slice %arg2[%dma_start3A_46, %dma_start3A_47] : memref<1000000x32xf32, #tpu.memory_space<hbm>> -> memref<1000000x32xf32, #tpu.memory_space<hbm>>
      tpu.enqueue_indirect_dma source(%dma_start3A_48 : memref<1000000x32xf32, #tpu.memory_space<hbm>>) target(%dma_start3A_42 : memref<128x32xf32, #tpu.memory_space<vmem>>) offsets(%dma_start3A_45 : memref<128xi32, #tpu.memory_space<vmem>>) semaphore(%arg7 : memref<!tpu.dma_semaphore, #tpu.memory_space<semaphore_mem>>)
      %mul3A_49 = arith.constant 8 : i32
      %mul3A_50 = arith.muli %scan3A_10, %mul3A_49 : i32
      %add3A_51 = arith.constant 3 : i32
      %add3A_52 = arith.addi %mul3A_50, %add3A_51 : i32
      %dma_start3A_53 = arith.constant 384 : i32
      %dma_start3A_54 = arith.constant 0 : i32
      %dma_start3A_55 = tpu.memref_slice %arg6[%dma_start3A_53, %dma_start3A_54] : memref<1024x32xf32, #tpu.memory_space<vmem>> -> memref<128x32xf32, #tpu.memory_space<vmem>>
      %dma_start3A_56 = arith.constant 0 : i32
      %dma_start3A_57 = tpu.memref_slice %arg5[%add3A_52, %dma_start3A_56] : memref<200x128xi32, #tpu.memory_space<vmem>> -> memref<1x128xi32, #tpu.memory_space<vmem>>
      %dma_start3A_58 = tpu.memref_squeeze %dma_start3A_57 : memref<1x128xi32, #tpu.memory_space<vmem>> -> memref<128xi32, #tpu.memory_space<vmem>>
      %dma_start3A_59 = arith.constant 0 : i32
      %dma_start3A_60 = arith.constant 0 : i32
      %dma_start3A_61 = tpu.memref_slice %arg2[%dma_start3A_59, %dma_start3A_60] : memref<1000000x32xf32, #tpu.memory_space<hbm>> -> memref<1000000x32xf32, #tpu.memory_space<hbm>>
      tpu.enqueue_indirect_dma source(%dma_start3A_61 : memref<1000000x32xf32, #tpu.memory_space<hbm>>) target(%dma_start3A_55 : memref<128x32xf32, #tpu.memory_space<vmem>>) offsets(%dma_start3A_58 : memref<128xi32, #tpu.memory_space<vmem>>) semaphore(%arg7 : memref<!tpu.dma_semaphore, #tpu.memory_space<semaphore_mem>>)
      %mul3A_62 = arith.constant 8 : i32
      %mul3A_63 = arith.muli %scan3A_10, %mul3A_62 : i32
      %add3A_64 = arith.constant 4 : i32
      %add3A_65 = arith.addi %mul3A_63, %add3A_64 : i32
      %dma_start3A_66 = arith.constant 512 : i32
      %dma_start3A_67 = arith.constant 0 : i32
      %dma_start3A_68 = tpu.memref_slice %arg6[%dma_start3A_66, %dma_start3A_67] : memref<1024x32xf32, #tpu.memory_space<vmem>> -> memref<128x32xf32, #tpu.memory_space<vmem>>
      %dma_start3A_69 = arith.constant 0 : i32
      %dma_start3A_70 = tpu.memref_slice %arg5[%add3A_65, %dma_start3A_69] : memref<200x128xi32, #tpu.memory_space<vmem>> -> memref<1x128xi32, #tpu.memory_space<vmem>>
      %dma_start3A_71 = tpu.memref_squeeze %dma_start3A_70 : memref<1x128xi32, #tpu.memory_space<vmem>> -> memref<128xi32, #tpu.memory_space<vmem>>
      %dma_start3A_72 = arith.constant 0 : i32
      %dma_start3A_73 = arith.constant 0 : i32
      %dma_start3A_74 = tpu.memref_slice %arg2[%dma_start3A_72, %dma_start3A_73] : memref<1000000x32xf32, #tpu.memory_space<hbm>> -> memref<1000000x32xf32, #tpu.memory_space<hbm>>
      tpu.enqueue_indirect_dma source(%dma_start3A_74 : memref<1000000x32xf32, #tpu.memory_space<hbm>>) target(%dma_start3A_68 : memref<128x32xf32, #tpu.memory_space<vmem>>) offsets(%dma_start3A_71 : memref<128xi32, #tpu.memory_space<vmem>>) semaphore(%arg7 : memref<!tpu.dma_semaphore, #tpu.memory_space<semaphore_mem>>)
      %mul3A_75 = arith.constant 8 : i32
      %mul3A_76 = arith.muli %scan3A_10, %mul3A_75 : i32
      %add3A_77 = arith.constant 5 : i32
      %add3A_78 = arith.addi %mul3A_76, %add3A_77 : i32
      %dma_start3A_79 = arith.constant 640 : i32
      %dma_start3A_80 = arith.constant 0 : i32
      %dma_start3A_81 = tpu.memref_slice %arg6[%dma_start3A_79, %dma_start3A_80] : memref<1024x32xf32, #tpu.memory_space<vmem>> -> memref<128x32xf32, #tpu.memory_space<vmem>>
      %dma_start3A_82 = arith.constant 0 : i32
      %dma_start3A_83 = tpu.memref_slice %arg5[%add3A_78, %dma_start3A_82] : memref<200x128xi32, #tpu.memory_space<vmem>> -> memref<1x128xi32, #tpu.memory_space<vmem>>
      %dma_start3A_84 = tpu.memref_squeeze %dma_start3A_83 : memref<1x128xi32, #tpu.memory_space<vmem>> -> memref<128xi32, #tpu.memory_space<vmem>>
      %dma_start3A_85 = arith.constant 0 : i32
      %dma_start3A_86 = arith.constant 0 : i32
      %dma_start3A_87 = tpu.memref_slice %arg2[%dma_start3A_85, %dma_start3A_86] : memref<1000000x32xf32, #tpu.memory_space<hbm>> -> memref<1000000x32xf32, #tpu.memory_space<hbm>>
      tpu.enqueue_indirect_dma source(%dma_start3A_87 : memref<1000000x32xf32, #tpu.memory_space<hbm>>) target(%dma_start3A_81 : memref<128x32xf32, #tpu.memory_space<vmem>>) offsets(%dma_start3A_84 : memref<128xi32, #tpu.memory_space<vmem>>) semaphore(%arg7 : memref<!tpu.dma_semaphore, #tpu.memory_space<semaphore_mem>>)
      %mul3A_88 = arith.constant 8 : i32
      %mul3A_89 = arith.muli %scan3A_10, %mul3A_88 : i32
      %add3A_90 = arith.constant 6 : i32
      %add3A_91 = arith.addi %mul3A_89, %add3A_90 : i32
      %dma_start3A_92 = arith.constant 768 : i32
      %dma_start3A_93 = arith.constant 0 : i32
      %dma_start3A_94 = tpu.memref_slice %arg6[%dma_start3A_92, %dma_start3A_93] : memref<1024x32xf32, #tpu.memory_space<vmem>> -> memref<128x32xf32, #tpu.memory_space<vmem>>
      %dma_start3A_95 = arith.constant 0 : i32
      %dma_start3A_96 = tpu.memref_slice %arg5[%add3A_91, %dma_start3A_95] : memref<200x128xi32, #tpu.memory_space<vmem>> -> memref<1x128xi32, #tpu.memory_space<vmem>>
      %dma_start3A_97 = tpu.memref_squeeze %dma_start3A_96 : memref<1x128xi32, #tpu.memory_space<vmem>> -> memref<128xi32, #tpu.memory_space<vmem>>
      %dma_start3A_98 = arith.constant 0 : i32
      %dma_start3A_99 = arith.constant 0 : i32
      %dma_start3A_100 = tpu.memref_slice %arg2[%dma_start3A_98, %dma_start3A_99] : memref<1000000x32xf32, #tpu.memory_space<hbm>> -> memref<1000000x32xf32, #tpu.memory_space<hbm>>
      tpu.enqueue_indirect_dma source(%dma_start3A_100 : memref<1000000x32xf32, #tpu.memory_space<hbm>>) target(%dma_start3A_94 : memref<128x32xf32, #tpu.memory_space<vmem>>) offsets(%dma_start3A_97 : memref<128xi32, #tpu.memory_space<vmem>>) semaphore(%arg7 : memref<!tpu.dma_semaphore, #tpu.memory_space<semaphore_mem>>)
      %mul3A_101 = arith.constant 8 : i32
      %mul3A_102 = arith.muli %scan3A_10, %mul3A_101 : i32
      %add3A_103 = arith.constant 7 : i32
      %add3A_104 = arith.addi %mul3A_102, %add3A_103 : i32
      %dma_start3A_105 = arith.constant 896 : i32
      %dma_start3A_106 = arith.constant 0 : i32
      %dma_start3A_107 = tpu.memref_slice %arg6[%dma_start3A_105, %dma_start3A_106] : memref<1024x32xf32, #tpu.memory_space<vmem>> -> memref<128x32xf32, #tpu.memory_space<vmem>>
      %dma_start3A_108 = arith.constant 0 : i32
      %dma_start3A_109 = tpu.memref_slice %arg5[%add3A_104, %dma_start3A_108] : memref<200x128xi32, #tpu.memory_space<vmem>> -> memref<1x128xi32, #tpu.memory_space<vmem>>
      %dma_start3A_110 = tpu.memref_squeeze %dma_start3A_109 : memref<1x128xi32, #tpu.memory_space<vmem>> -> memref<128xi32, #tpu.memory_space<vmem>>
      %dma_start3A_111 = arith.constant 0 : i32
      %dma_start3A_112 = arith.constant 0 : i32
      %dma_start3A_113 = tpu.memref_slice %arg2[%dma_start3A_111, %dma_start3A_112] : memref<1000000x32xf32, #tpu.memory_space<hbm>> -> memref<1000000x32xf32, #tpu.memory_space<hbm>>
      tpu.enqueue_indirect_dma source(%dma_start3A_113 : memref<1000000x32xf32, #tpu.memory_space<hbm>>) target(%dma_start3A_107 : memref<128x32xf32, #tpu.memory_space<vmem>>) offsets(%dma_start3A_110 : memref<128xi32, #tpu.memory_space<vmem>>) semaphore(%arg7 : memref<!tpu.dma_semaphore, #tpu.memory_space<semaphore_mem>>)
      %dma_wait3A = arith.constant 0 : i32
      %dma_wait3A_114 = arith.constant 0 : i32
      %dma_wait3A_115 = tpu.memref_slice %arg6[%dma_wait3A, %dma_wait3A_114] : memref<1024x32xf32, #tpu.memory_space<vmem>> -> memref<128x32xf32, #tpu.memory_space<vmem>>
      %dma_wait3A_116 = arith.constant 0 : i32
      %dma_wait3A_117 = tpu.memref_slice %arg5[%add3A_14, %dma_wait3A_116] : memref<200x128xi32, #tpu.memory_space<vmem>> -> memref<1x128xi32, #tpu.memory_space<vmem>>
      %dma_wait3A_118 = tpu.memref_squeeze %dma_wait3A_117 : memref<1x128xi32, #tpu.memory_space<vmem>> -> memref<128xi32, #tpu.memory_space<vmem>>
      %dma_wait3A_119 = arith.constant 0 : i32
      %dma_wait3A_120 = arith.constant 0 : i32
      %dma_wait3A_121 = tpu.memref_slice %arg2[%dma_wait3A_119, %dma_wait3A_120] : memref<1000000x32xf32, #tpu.memory_space<hbm>> -> memref<1000000x32xf32, #tpu.memory_space<hbm>>
      tpu.wait_indirect_dma semaphore(%arg7 : memref<!tpu.dma_semaphore, #tpu.memory_space<semaphore_mem>>) src(%dma_wait3A_121 : memref<1000000x32xf32, #tpu.memory_space<hbm>>) dst(%dma_wait3A_115 : memref<128x32xf32, #tpu.memory_space<vmem>>)
      %dma_wait3A_122 = arith.constant 128 : i32
      %dma_wait3A_123 = arith.constant 0 : i32
      %dma_wait3A_124 = tpu.memref_slice %arg6[%dma_wait3A_122, %dma_wait3A_123] : memref<1024x32xf32, #tpu.memory_space<vmem>> -> memref<128x32xf32, #tpu.memory_space<vmem>>
      %dma_wait3A_125 = arith.constant 0 : i32
      %dma_wait3A_126 = tpu.memref_slice %arg5[%add3A_26, %dma_wait3A_125] : memref<200x128xi32, #tpu.memory_space<vmem>> -> memref<1x128xi32, #tpu.memory_space<vmem>>
      %dma_wait3A_127 = tpu.memref_squeeze %dma_wait3A_126 : memref<1x128xi32, #tpu.memory_space<vmem>> -> memref<128xi32, #tpu.memory_space<vmem>>
      %dma_wait3A_128 = arith.constant 0 : i32
      %dma_wait3A_129 = arith.constant 0 : i32
      %dma_wait3A_130 = tpu.memref_slice %arg2[%dma_wait3A_128, %dma_wait3A_129] : memref<1000000x32xf32, #tpu.memory_space<hbm>> -> memref<1000000x32xf32, #tpu.memory_space<hbm>>
      tpu.wait_indirect_dma semaphore(%arg7 : memref<!tpu.dma_semaphore, #tpu.memory_space<semaphore_mem>>) src(%dma_wait3A_130 : memref<1000000x32xf32, #tpu.memory_space<hbm>>) dst(%dma_wait3A_124 : memref<128x32xf32, #tpu.memory_space<vmem>>)
      %dma_wait3A_131 = arith.constant 256 : i32
      %dma_wait3A_132 = arith.constant 0 : i32
      %dma_wait3A_133 = tpu.memref_slice %arg6[%dma_wait3A_131, %dma_wait3A_132] : memref<1024x32xf32, #tpu.memory_space<vmem>> -> memref<128x32xf32, #tpu.memory_space<vmem>>
      %dma_wait3A_134 = arith.constant 0 : i32
      %dma_wait3A_135 = tpu.memref_slice %arg5[%add3A_39, %dma_wait3A_134] : memref<200x128xi32, #tpu.memory_space<vmem>> -> memref<1x128xi32, #tpu.memory_space<vmem>>
      %dma_wait3A_136 = tpu.memref_squeeze %dma_wait3A_135 : memref<1x128xi32, #tpu.memory_space<vmem>> -> memref<128xi32, #tpu.memory_space<vmem>>
      %dma_wait3A_137 = arith.constant 0 : i32
      %dma_wait3A_138 = arith.constant 0 : i32
      %dma_wait3A_139 = tpu.memref_slice %arg2[%dma_wait3A_137, %dma_wait3A_138] : memref<1000000x32xf32, #tpu.memory_space<hbm>> -> memref<1000000x32xf32, #tpu.memory_space<hbm>>
      tpu.wait_indirect_dma semaphore(%arg7 : memref<!tpu.dma_semaphore, #tpu.memory_space<semaphore_mem>>) src(%dma_wait3A_139 : memref<1000000x32xf32, #tpu.memory_space<hbm>>) dst(%dma_wait3A_133 : memref<128x32xf32, #tpu.memory_space<vmem>>)
      %dma_wait3A_140 = arith.constant 384 : i32
      %dma_wait3A_141 = arith.constant 0 : i32
      %dma_wait3A_142 = tpu.memref_slice %arg6[%dma_wait3A_140, %dma_wait3A_141] : memref<1024x32xf32, #tpu.memory_space<vmem>> -> memref<128x32xf32, #tpu.memory_space<vmem>>
      %dma_wait3A_143 = arith.constant 0 : i32
      %dma_wait3A_144 = tpu.memref_slice %arg5[%add3A_52, %dma_wait3A_143] : memref<200x128xi32, #tpu.memory_space<vmem>> -> memref<1x128xi32, #tpu.memory_space<vmem>>
      %dma_wait3A_145 = tpu.memref_squeeze %dma_wait3A_144 : memref<1x128xi32, #tpu.memory_space<vmem>> -> memref<128xi32, #tpu.memory_space<vmem>>
      %dma_wait3A_146 = arith.constant 0 : i32
      %dma_wait3A_147 = arith.constant 0 : i32
      %dma_wait3A_148 = tpu.memref_slice %arg2[%dma_wait3A_146, %dma_wait3A_147] : memref<1000000x32xf32, #tpu.memory_space<hbm>> -> memref<1000000x32xf32, #tpu.memory_space<hbm>>
      tpu.wait_indirect_dma semaphore(%arg7 : memref<!tpu.dma_semaphore, #tpu.memory_space<semaphore_mem>>) src(%dma_wait3A_148 : memref<1000000x32xf32, #tpu.memory_space<hbm>>) dst(%dma_wait3A_142 : memref<128x32xf32, #tpu.memory_space<vmem>>)
      %dma_wait3A_149 = arith.constant 512 : i32
      %dma_wait3A_150 = arith.constant 0 : i32
      %dma_wait3A_151 = tpu.memref_slice %arg6[%dma_wait3A_149, %dma_wait3A_150] : memref<1024x32xf32, #tpu.memory_space<vmem>> -> memref<128x32xf32, #tpu.memory_space<vmem>>
      %dma_wait3A_152 = arith.constant 0 : i32
      %dma_wait3A_153 = tpu.memref_slice %arg5[%add3A_65, %dma_wait3A_152] : memref<200x128xi32, #tpu.memory_space<vmem>> -> memref<1x128xi32, #tpu.memory_space<vmem>>
      %dma_wait3A_154 = tpu.memref_squeeze %dma_wait3A_153 : memref<1x128xi32, #tpu.memory_space<vmem>> -> memref<128xi32, #tpu.memory_space<vmem>>
      %dma_wait3A_155 = arith.constant 0 : i32
      %dma_wait3A_156 = arith.constant 0 : i32
      %dma_wait3A_157 = tpu.memref_slice %arg2[%dma_wait3A_155, %dma_wait3A_156] : memref<1000000x32xf32, #tpu.memory_space<hbm>> -> memref<1000000x32xf32, #tpu.memory_space<hbm>>
      tpu.wait_indirect_dma semaphore(%arg7 : memref<!tpu.dma_semaphore, #tpu.memory_space<semaphore_mem>>) src(%dma_wait3A_157 : memref<1000000x32xf32, #tpu.memory_space<hbm>>) dst(%dma_wait3A_151 : memref<128x32xf32, #tpu.memory_space<vmem>>)
      %dma_wait3A_158 = arith.constant 640 : i32
      %dma_wait3A_159 = arith.constant 0 : i32
      %dma_wait3A_160 = tpu.memref_slice %arg6[%dma_wait3A_158, %dma_wait3A_159] : memref<1024x32xf32, #tpu.memory_space<vmem>> -> memref<128x32xf32, #tpu.memory_space<vmem>>
      %dma_wait3A_161 = arith.constant 0 : i32
      %dma_wait3A_162 = tpu.memref_slice %arg5[%add3A_78, %dma_wait3A_161] : memref<200x128xi32, #tpu.memory_space<vmem>> -> memref<1x128xi32, #tpu.memory_space<vmem>>
      %dma_wait3A_163 = tpu.memref_squeeze %dma_wait3A_162 : memref<1x128xi32, #tpu.memory_space<vmem>> -> memref<128xi32, #tpu.memory_space<vmem>>
      %dma_wait3A_164 = arith.constant 0 : i32
      %dma_wait3A_165 = arith.constant 0 : i32
      %dma_wait3A_166 = tpu.memref_slice %arg2[%dma_wait3A_164, %dma_wait3A_165] : memref<1000000x32xf32, #tpu.memory_space<hbm>> -> memref<1000000x32xf32, #tpu.memory_space<hbm>>
      tpu.wait_indirect_dma semaphore(%arg7 : memref<!tpu.dma_semaphore, #tpu.memory_space<semaphore_mem>>) src(%dma_wait3A_166 : memref<1000000x32xf32, #tpu.memory_space<hbm>>) dst(%dma_wait3A_160 : memref<128x32xf32, #tpu.memory_space<vmem>>)
      %dma_wait3A_167 = arith.constant 768 : i32
      %dma_wait3A_168 = arith.constant 0 : i32
      %dma_wait3A_169 = tpu.memref_slice %arg6[%dma_wait3A_167, %dma_wait3A_168] : memref<1024x32xf32, #tpu.memory_space<vmem>> -> memref<128x32xf32, #tpu.memory_space<vmem>>
      %dma_wait3A_170 = arith.constant 0 : i32
      %dma_wait3A_171 = tpu.memref_slice %arg5[%add3A_91, %dma_wait3A_170] : memref<200x128xi32, #tpu.memory_space<vmem>> -> memref<1x128xi32, #tpu.memory_space<vmem>>
      %dma_wait3A_172 = tpu.memref_squeeze %dma_wait3A_171 : memref<1x128xi32, #tpu.memory_space<vmem>> -> memref<128xi32, #tpu.memory_space<vmem>>
      %dma_wait3A_173 = arith.constant 0 : i32
      %dma_wait3A_174 = arith.constant 0 : i32
      %dma_wait3A_175 = tpu.memref_slice %arg2[%dma_wait3A_173, %dma_wait3A_174] : memref<1000000x32xf32, #tpu.memory_space<hbm>> -> memref<1000000x32xf32, #tpu.memory_space<hbm>>
      tpu.wait_indirect_dma semaphore(%arg7 : memref<!tpu.dma_semaphore, #tpu.memory_space<semaphore_mem>>) src(%dma_wait3A_175 : memref<1000000x32xf32, #tpu.memory_space<hbm>>) dst(%dma_wait3A_169 : memref<128x32xf32, #tpu.memory_space<vmem>>)
      %dma_wait3A_176 = arith.constant 896 : i32
      %dma_wait3A_177 = arith.constant 0 : i32
      %dma_wait3A_178 = tpu.memref_slice %arg6[%dma_wait3A_176, %dma_wait3A_177] : memref<1024x32xf32, #tpu.memory_space<vmem>> -> memref<128x32xf32, #tpu.memory_space<vmem>>
      %dma_wait3A_179 = arith.constant 0 : i32
      %dma_wait3A_180 = tpu.memref_slice %arg5[%add3A_104, %dma_wait3A_179] : memref<200x128xi32, #tpu.memory_space<vmem>> -> memref<1x128xi32, #tpu.memory_space<vmem>>
      %dma_wait3A_181 = tpu.memref_squeeze %dma_wait3A_180 : memref<1x128xi32, #tpu.memory_space<vmem>> -> memref<128xi32, #tpu.memory_space<vmem>>
      %dma_wait3A_182 = arith.constant 0 : i32
      %dma_wait3A_183 = arith.constant 0 : i32
      %dma_wait3A_184 = tpu.memref_slice %arg2[%dma_wait3A_182, %dma_wait3A_183] : memref<1000000x32xf32, #tpu.memory_space<hbm>> -> memref<1000000x32xf32, #tpu.memory_space<hbm>>
      tpu.wait_indirect_dma semaphore(%arg7 : memref<!tpu.dma_semaphore, #tpu.memory_space<semaphore_mem>>) src(%dma_wait3A_184 : memref<1000000x32xf32, #tpu.memory_space<hbm>>) dst(%dma_wait3A_178 : memref<128x32xf32, #tpu.memory_space<vmem>>)
      %mul3A_185 = arith.constant 1024 : i32
      %mul3A_186 = arith.muli %scan3A_10, %mul3A_185 : i32
      %add3A_187 = arith.addi %mul3A_2, %mul3A_186 : i32
      "tpu.region"() ({
        %run_scoped3A = tpu.sem_alloc : memref<!tpu.dma_semaphore, #tpu.memory_space<semaphore_mem>>
        %dma_start3A_188 = arith.constant 0 : i32
        %dma_start3A_189 = tpu.memref_slice %arg4[%add3A_187, %dma_start3A_188] : memref<819200x32xf32, #tpu.memory_space<hbm>> -> memref<1024x32xf32, #tpu.memory_space<hbm>>
        %dma_start3A_190 = arith.constant 0 : i32
        %dma_start3A_191 = tpu.memref_slice %arg4[%add3A_187, %dma_start3A_190] : memref<819200x32xf32, #tpu.memory_space<hbm>> -> memref<1024x32xf32, #tpu.memory_space<hbm>>
        tpu.enqueue_dma source(%arg6 : memref<1024x32xf32, #tpu.memory_space<vmem>>) target(%dma_start3A_191 : memref<1024x32xf32, #tpu.memory_space<hbm>>) target_semaphore(%run_scoped3A : memref<!tpu.dma_semaphore, #tpu.memory_space<semaphore_mem>>)
        %dma_wait3A_192 = arith.constant 0 : i32
        %dma_wait3A_193 = tpu.memref_slice %arg4[%add3A_187, %dma_wait3A_192] : memref<819200x32xf32, #tpu.memory_space<hbm>> -> memref<1024x32xf32, #tpu.memory_space<hbm>>
        %dma_wait3A_194 = arith.constant 0 : i32
        %dma_wait3A_195 = tpu.memref_slice %arg4[%add3A_187, %dma_wait3A_194] : memref<819200x32xf32, #tpu.memory_space<hbm>> -> memref<1024x32xf32, #tpu.memory_space<hbm>>
        tpu.wait_dma2 semaphore(%run_scoped3A : memref<!tpu.dma_semaphore, #tpu.memory_space<semaphore_mem>>) src(%arg6 : memref<1024x32xf32, #tpu.memory_space<vmem>>) dst(%dma_wait3A_195 : memref<1024x32xf32, #tpu.memory_space<hbm>>)
        tpu.yield
      }) : () -> ()
    }
    %scan3A_9 = arith.constant 25 : i32
    return
  }
}

module attributes {stable_mosaic.version = 14 : i64} {
  func.func @_lstm_body(%arg0: i32, %arg1: i32, %arg2: memref<1x1024x32xf32, #tpu.memory_space<vmem>>, %arg3: memref<32x512xf32, #tpu.memory_space<vmem>>, %arg4: memref<128x512xf32, #tpu.memory_space<vmem>>, %arg5: memref<1x512xf32, #tpu.memory_space<vmem>>, %arg6: memref<128x1xf32, #tpu.memory_space<vmem>>, %arg7: memref<1x1xf32, #tpu.memory_space<vmem>>, %arg8: memref<1024x1xf32, #tpu.memory_space<vmem>>, %arg9: memref<1024x128xf32, #tpu.memory_space<vmem>>, %arg10: memref<1024x128xf32, #tpu.memory_space<vmem>>) attributes {dimension_semantics = [#tpu.dimension_semantics<arbitrary>, #tpu.dimension_semantics<arbitrary>], iteration_bounds = array<i64: 4, 200>, scalar_prefetch = 0 : i64, scratch_operands = 2 : i64, tpu.core_type = #tpu.core_type<tc>, window_params = [{transform_indices = @transform_0, window_bounds = array<i64: 1, 1024, 32>}, {pipeline_mode = #tpu.pipeline_mode<synchronous>, transform_indices = @transform_1, window_bounds = array<i64: 32, 512>}, {pipeline_mode = #tpu.pipeline_mode<synchronous>, transform_indices = @transform_2, window_bounds = array<i64: 128, 512>}, {pipeline_mode = #tpu.pipeline_mode<synchronous>, transform_indices = @transform_3, window_bounds = array<i64: 1, 512>}, {pipeline_mode = #tpu.pipeline_mode<synchronous>, transform_indices = @transform_4, window_bounds = array<i64: 128, 1>}, {pipeline_mode = #tpu.pipeline_mode<synchronous>, transform_indices = @transform_5, window_bounds = array<i64: 1, 1>}, {transform_indices = @transform_6, window_bounds = array<i64: 1024, 1>}]} {
    %eq3A = arith.constant 0 : i32
    %eq3A_0 = arith.cmpi eq, %arg1, %eq3A : i32
    %convert_element_type3A = arith.extui %eq3A_0 : i1 to i32
    %cond3A = arith.constant 0 : i32
    %cond3A_1 = arith.cmpi ne, %convert_element_type3A, %cond3A : i32
    scf.if %cond3A_1 {
      %broadcast_in_dim3A = arith.constant 0.000000e+00 : f32
      %broadcast_in_dim3A_60 = vector.broadcast %broadcast_in_dim3A : f32 to vector<1024x128xf32>
      %swap3A_61 = arith.constant 0 : index
      %swap3A_62 = arith.constant 0 : index
      %swap3A_63 = vector.load %arg9[%swap3A_61, %swap3A_62] : memref<1024x128xf32, #tpu.memory_space<vmem>>, vector<1024x128xf32>
      tpu.vector_store %arg9[%swap3A_61, %swap3A_62], %broadcast_in_dim3A_60 {strides = array<i32>} : memref<1024x128xf32, #tpu.memory_space<vmem>>, vector<1024x128xf32>,
      %broadcast_in_dim3A_64 = arith.constant 0.000000e+00 : f32
      %broadcast_in_dim3A_65 = vector.broadcast %broadcast_in_dim3A_64 : f32 to vector<1024x128xf32>
      %swap3A_66 = arith.constant 0 : index
      %swap3A_67 = arith.constant 0 : index
      %swap3A_68 = vector.load %arg10[%swap3A_66, %swap3A_67] : memref<1024x128xf32, #tpu.memory_space<vmem>>, vector<1024x128xf32>
      tpu.vector_store %arg10[%swap3A_66, %swap3A_67], %broadcast_in_dim3A_65 {strides = array<i32>} : memref<1024x128xf32, #tpu.memory_space<vmem>>, vector<1024x128xf32>,
    } else {
    }
    %get3A = arith.constant 0 : index
    %get3A_2 = arith.constant 0 : index
    %get3A_3 = arith.constant 0 : index
    %get3A_4 = vector.load %arg2[%get3A, %get3A_2, %get3A_3] : memref<1x1024x32xf32, #tpu.memory_space<vmem>>, vector<1x1024x32xf32>
    %get3A_5 = vector.shape_cast %get3A_4 : vector<1x1024x32xf32> to vector<1024x32xf32>
    %get3A_6 = arith.constant 0 : index
    %get3A_7 = arith.constant 0 : index
    %get3A_8 = vector.load %arg9[%get3A_6, %get3A_7] : memref<1024x128xf32, #tpu.memory_space<vmem>>, vector<1024x128xf32>
    %get3A_9 = arith.constant 0 : index
    %get3A_10 = arith.constant 0 : index
    %get3A_11 = vector.load %arg10[%get3A_9, %get3A_10] : memref<1024x128xf32, #tpu.memory_space<vmem>>, vector<1024x128xf32>
    %get3A_12 = arith.constant 0 : index
    %get3A_13 = arith.constant 0 : index
    %get3A_14 = vector.load %arg3[%get3A_12, %get3A_13] : memref<32x512xf32, #tpu.memory_space<vmem>>, vector<32x512xf32>
    %dot_general3A = arith.constant dense<0.000000e+00> : vector<1024x512xf32>
    %dot_general3A_15 = tpu.matmul %get3A_5, %get3A_14, %dot_general3A {dimension_numbers = #tpu.dot_dimension_numbers<[1], [0], [0], [1], [0, 0, 1, 1], [], []>, transpose_lhs_hint = false} : vector<1024x32xf32>, vector<32x512xf32>, vector<1024x512xf32> -> vector<1024x512xf32>
    %get3A_16 = arith.constant 0 : index
    %get3A_17 = arith.constant 0 : index
    %get3A_18 = vector.load %arg4[%get3A_16, %get3A_17] : memref<128x512xf32, #tpu.memory_space<vmem>>, vector<128x512xf32>
    %dot_general3A_19 = arith.constant dense<0.000000e+00> : vector<1024x512xf32>
    %dot_general3A_20 = tpu.matmul %get3A_8, %get3A_18, %dot_general3A_19 {dimension_numbers = #tpu.dot_dimension_numbers<[1], [0], [0], [1], [0, 0, 1, 1], [], []>, transpose_lhs_hint = false} : vector<1024x128xf32>, vector<128x512xf32>, vector<1024x512xf32> -> vector<1024x512xf32>
    %add3A = arith.addf %dot_general3A_15, %dot_general3A_20 : vector<1024x512xf32>
    %get3A_21 = arith.constant 0 : index
    %get3A_22 = arith.constant 0 : index
    %get3A_23 = vector.load %arg5[%get3A_21, %get3A_22] : memref<1x512xf32, #tpu.memory_space<vmem>>, vector<1x512xf32>
    %add3A_24 = vector.broadcast %get3A_23 : vector<1x512xf32> to vector<1024x512xf32>
    %add3A_25 = arith.addf %add3A, %add3A_24 : vector<1024x512xf32>
    %slice3A = vector.extract_strided_slice %add3A_25 {offsets = [0, 0], sizes = [1024, 128], strides = [1, 1]} : vector<1024x512xf32> to vector<1024x128xf32>
    %logistic3A = arith.negf %slice3A : vector<1024x128xf32>
    %logistic3A_26 = math.exp %logistic3A : vector<1024x128xf32>
    %logistic3A_27 = arith.constant 1.000000e+00 : f32
    %logistic3A_28 = vector.broadcast %logistic3A_27 : f32 to vector<1024x128xf32>
    %logistic3A_29 = arith.addf %logistic3A_28, %logistic3A_26 : vector<1024x128xf32>
    %logistic3A_30 = arith.divf %logistic3A_28, %logistic3A_29 : vector<1024x128xf32>
    %slice3A_31 = vector.extract_strided_slice %add3A_25 {offsets = [0, 128], sizes = [1024, 128], strides = [1, 1]} : vector<1024x512xf32> to vector<1024x128xf32>
    %logistic3A_32 = arith.negf %slice3A_31 : vector<1024x128xf32>
    %logistic3A_33 = math.exp %logistic3A_32 : vector<1024x128xf32>
    %logistic3A_34 = arith.constant 1.000000e+00 : f32
    %logistic3A_35 = vector.broadcast %logistic3A_34 : f32 to vector<1024x128xf32>
    %logistic3A_36 = arith.addf %logistic3A_35, %logistic3A_33 : vector<1024x128xf32>
    %logistic3A_37 = arith.divf %logistic3A_35, %logistic3A_36 : vector<1024x128xf32>
    %slice3A_38 = vector.extract_strided_slice %add3A_25 {offsets = [0, 256], sizes = [1024, 128], strides = [1, 1]} : vector<1024x512xf32> to vector<1024x128xf32>
    %tanh3A = math.tanh %slice3A_38 : vector<1024x128xf32>
    %slice3A_39 = vector.extract_strided_slice %add3A_25 {offsets = [0, 384], sizes = [1024, 128], strides = [1, 1]} : vector<1024x512xf32> to vector<1024x128xf32>
    %logistic3A_40 = arith.negf %slice3A_39 : vector<1024x128xf32>
    %logistic3A_41 = math.exp %logistic3A_40 : vector<1024x128xf32>
    %logistic3A_42 = arith.constant 1.000000e+00 : f32
    %logistic3A_43 = vector.broadcast %logistic3A_42 : f32 to vector<1024x128xf32>
    %logistic3A_44 = arith.addf %logistic3A_43, %logistic3A_41 : vector<1024x128xf32>
    %logistic3A_45 = arith.divf %logistic3A_43, %logistic3A_44 : vector<1024x128xf32>
    %mul3A = arith.mulf %logistic3A_37, %get3A_11 : vector<1024x128xf32>
    %mul3A_46 = arith.mulf %logistic3A_30, %tanh3A : vector<1024x128xf32>
    %add3A_47 = arith.addf %mul3A, %mul3A_46 : vector<1024x128xf32>
    %tanh3A_48 = math.tanh %add3A_47 : vector<1024x128xf32>
    %mul3A_49 = arith.mulf %logistic3A_45, %tanh3A_48 : vector<1024x128xf32>
    %swap3A = arith.constant 0 : index
    %swap3A_50 = arith.constant 0 : index
    %swap3A_51 = vector.load %arg9[%swap3A, %swap3A_50] : memref<1024x128xf32, #tpu.memory_space<vmem>>, vector<1024x128xf32>
    tpu.vector_store %arg9[%swap3A, %swap3A_50], %mul3A_49 {strides = array<i32>} : memref<1024x128xf32, #tpu.memory_space<vmem>>, vector<1024x128xf32>,
    %swap3A_52 = arith.constant 0 : index
    %swap3A_53 = arith.constant 0 : index
    %swap3A_54 = vector.load %arg10[%swap3A_52, %swap3A_53] : memref<1024x128xf32, #tpu.memory_space<vmem>>, vector<1024x128xf32>
    tpu.vector_store %arg10[%swap3A_52, %swap3A_53], %add3A_47 {strides = array<i32>} : memref<1024x128xf32, #tpu.memory_space<vmem>>, vector<1024x128xf32>,
    %eq3A_55 = arith.constant 199 : i32
    %eq3A_56 = arith.cmpi eq, %arg1, %eq3A_55 : i32
    %convert_element_type3A_57 = arith.extui %eq3A_56 : i1 to i32
    %cond3A_58 = arith.constant 0 : i32
    %cond3A_59 = arith.cmpi ne, %convert_element_type3A_57, %cond3A_58 : i32
    scf.if %cond3A_59 {
      %get3A_60 = arith.constant 0 : index
      %get3A_61 = arith.constant 0 : index
      %get3A_62 = vector.load %arg6[%get3A_60, %get3A_61] : memref<128x1xf32, #tpu.memory_space<vmem>>, vector<128x1xf32>
      %dot_general3A_63 = arith.constant dense<0.000000e+00> : vector<1024x1xf32>
      %dot_general3A_64 = tpu.matmul %mul3A_49, %get3A_62, %dot_general3A_63 {dimension_numbers = #tpu.dot_dimension_numbers<[1], [0], [0], [1], [0, 0, 1, 1], [], []>, transpose_lhs_hint = false} : vector<1024x128xf32>, vector<128x1xf32>, vector<1024x1xf32> -> vector<1024x1xf32>
      %get3A_65 = arith.constant 0 : index
      %get3A_66 = arith.constant 0 : index
      %get3A_67 = vector.load %arg7[%get3A_65, %get3A_66] : memref<1x1xf32, #tpu.memory_space<vmem>>, vector<1x1xf32>
      %add3A_68 = vector.broadcast %get3A_67 : vector<1x1xf32> to vector<1024x1xf32>
      %add3A_69 = arith.addf %dot_general3A_64, %add3A_68 : vector<1024x1xf32>
      %logistic3A_70 = arith.negf %add3A_69 : vector<1024x1xf32>
      %logistic3A_71 = math.exp %logistic3A_70 : vector<1024x1xf32>
      %logistic3A_72 = arith.constant 1.000000e+00 : f32
      %logistic3A_73 = vector.broadcast %logistic3A_72 : f32 to vector<1024x1xf32>
      %logistic3A_74 = arith.addf %logistic3A_73, %logistic3A_71 : vector<1024x1xf32>
      %logistic3A_75 = arith.divf %logistic3A_73, %logistic3A_74 : vector<1024x1xf32>
      %swap3A_76 = arith.constant 0 : index
      %swap3A_77 = arith.constant 0 : index
      %swap3A_78 = vector.load %arg8[%swap3A_76, %swap3A_77] : memref<1024x1xf32, #tpu.memory_space<vmem>>, vector<1024x1xf32>
      tpu.vector_store %arg8[%swap3A_76, %swap3A_77], %logistic3A_75 {strides = array<i32>} : memref<1024x1xf32, #tpu.memory_space<vmem>>, vector<1024x1xf32>,
    } else {
    }
    return
  }
  func.func @transform_0(%arg0: i32, %arg1: i32) -> (i32, i32, i32) {
    %c0_i32 = arith.constant 0 : i32
    %c0_i32_0 = arith.constant 0 : i32
    return %arg1, %arg0, %c0_i32 : i32, i32, i32
  }
  func.func @transform_1(%arg0: i32, %arg1: i32) -> (i32, i32) {
    %c0_i32 = arith.constant 0 : i32
    %c0_i32_0 = arith.constant 0 : i32
    %c0_i32_1 = arith.constant 0 : i32
    return %c0_i32, %c0_i32_0 : i32, i32
  }
  func.func @transform_2(%arg0: i32, %arg1: i32) -> (i32, i32) {
    %c0_i32 = arith.constant 0 : i32
    %c0_i32_0 = arith.constant 0 : i32
    %c0_i32_1 = arith.constant 0 : i32
    return %c0_i32, %c0_i32_0 : i32, i32
  }
  func.func @transform_3(%arg0: i32, %arg1: i32) -> (i32, i32) {
    %c0_i32 = arith.constant 0 : i32
    %c0_i32_0 = arith.constant 0 : i32
    %c0_i32_1 = arith.constant 0 : i32
    return %c0_i32, %c0_i32_0 : i32, i32
  }
  func.func @transform_4(%arg0: i32, %arg1: i32) -> (i32, i32) {
    %c0_i32 = arith.constant 0 : i32
    %c0_i32_0 = arith.constant 0 : i32
    %c0_i32_1 = arith.constant 0 : i32
    return %c0_i32, %c0_i32_0 : i32, i32
  }
  func.func @transform_5(%arg0: i32, %arg1: i32) -> (i32, i32) {
    %c0_i32 = arith.constant 0 : i32
    %c0_i32_0 = arith.constant 0 : i32
    %c0_i32_1 = arith.constant 0 : i32
    return %c0_i32, %c0_i32_0 : i32, i32
  }
  func.func @transform_6(%arg0: i32, %arg1: i32) -> (i32, i32) {
    %c0_i32 = arith.constant 0 : i32
    %c0_i32_0 = arith.constant 0 : i32
    return %arg0, %c0_i32 : i32, i32
  }
}

</mosaic_0001>

<sc_bundles>
// kernel: kernel.4.cloned.1.call-start
scs
__scs_entry_jumppad:
0x0: {  	(pc) =	sbr.rel $0x88, $3  }
0x1: {  	(tag) =	ssettag $0x0;
	lr =	simm.s32 $0x1  }
0x2: {  	[smem:$0x3F9A] =	sst lr;
	_ =	strace $0xD0000000  }
0x3: {  	_ = 	snop  }
0x4: {  	_ = 	snop  }
0x5: {  	_ = 	snop  }
0x6: {  	_ = 	snop  }
0x7: {  	_ = 	snop  }
__scs_overlays_trampoline_lowered:
0x8: {  	[smem:$0x3FA9] =	sst s0  }
0x9: {  	[smem:$0x3FAA] =	sst s1  }
0xa: {  	[smem:$0x3FAB] =	sst s2  }
0xb: {  	[smem:$0x3FAC] =	sst s3  }
0xc: {  	[smem:$0x3FAD] =	sst s4  }
0xd: {  	[smem:$0x3FAE] =	sst s5  }
0xe: {  	[smem:$0x3FAF] =	sst s6  }
0xf: {  	[smem:$0x3FB0] =	sst s7  }
0x10: {  	[smem:$0x3FB1] =	sst s8  }
0x11: {  	[smem:$0x3FB2] =	sst s9;
	s0 =	simm.s32 @!p0 $0x0  }
0x12: {  	s1 =	sld [smem:$0x3F98];
	s0 =	simm.s32 @p0 $0x1  }
0x13: {  	[smem:$0x3FB3] =	sst s0;
	s0 =	simm.s32 @!p1 $0x0  }
0x14: {  	s2 =	sld [smem:$0x3F97];
	s0 =	simm.s32 @p1 $0x1  }
0x15: {  	[smem:$0x3FB4] =	sst s0;
	s0 =	simm.s32 @!p2 $0x0  }
0x16: {  	s3 =	sld [smem:$0x3FDB];
	s0 =	simm.s32 @p2 $0x1  }
0x17: {  	s4 =	simm.s32 $0x1BF5;
	[smem:$0x3FB6] =	sst s0  }
0x18: {  	s0 =	sld [smem:$0x3F99];
	_ =	swait.ge [sflag:s4], $0x0  }
0x19: {  	s7 =	sld [smem:$0x3F9A]  }
0x1a: {  	s8 =	sadd.s32 $0xFFFFE003, lr  }
0x1b: {  	s9 =	sadd.s32 $0xFFFFFEF7, lr;
	s5 =	simm.s32 $0xFFFFFFFF;
	p2 =	slt.u32 s8, $0xFFFFF086  }
0x1c: {  	p1 =	slt.u32 s9, $0xF7A;
	s5 =	simm.s32 @!p2 $0x0  }
0x1d: {  	s5 =	simm.s32 @p1 $0x1;
	p0 =	seq.s32 s7, s2  }
0x1e: {  	s7 =	smul.u32 @!p0 $0xF7A, s2;
	p2 =	seq.s32 @!p0 s5, $0x0  }
0x1f: {  	s9 =	smul.u32 $0xF7A, s1;
	s8 =	simm.s32 @!p0 $0x1BF5;
	p2 =	por !p2, p0  }
0x20: {  	[sflag:s8] =	ssyncset.s32 @!p0 $0xFFFFF086;
	s6 =	sadd.s32 @!p0 s3, s7;
	s7 =	simm.s32 @!p0 $0x108  }
0x21: {  	s3 =	sadd.s32 s3, s9;
	s6 =	sadd.s32 @!p0 $0x88, s6;
	s7 =	simm.s32 @p2 $0x1082  }
0x22: {  	[simem:s7], [sflag:s8] =	dma.local @!p0 [hbm:s6], $0xF7A  }
0x23: {  	s9 =	sor.u32 $0xD0000000, s2;
	s6 =	simm.s32 $0x108;
	_ =	swait.ge @!p0 [sflag:s8], $0x0  }
0x24: {  	s3 =	sadd.s32 $0x88, s3;
	s6 =	simm.s32 @!p1 $0x1082;
	[sflag:s4] =	ssyncset.s32 $0xFFFFF086  }
0x25: {  	[simem:s6], [sflag:s4] =	dma.local [hbm:s3], $0xF7A  }
0x26: {  	[smem:$0x3F9A] =	sst s1;
	(tag) =	ssettag s2;
	_ =	strace s9  }
0x27: {  	s1 =	sld [smem:$0x3FAA]  }
0x28: {  	s2 =	sld [smem:$0x3FAB]  }
0x29: {  	s4 =	sld [smem:$0x3FAD]  }
0x2a: {  	p0 =	seq.s32 s5, $0x0;
	s5 =	sld [smem:$0x3FAE]  }
0x2b: {  	s6 =	sld [smem:$0x3FAF]  }
0x2c: {  	s7 =	sld [smem:$0x3FB0]  }
0x2d: {  	s3 =	simm.s32 $0x108;
	s8 =	sld [smem:$0x3FB1]  }
0x2e: {  	s3 =	simm.s32 @!p0 $0x1082;
	s9 =	sld [smem:$0x3FB2]  }
0x2f: {  	lr =	sadd.s32 s0, s3;
	s0 =	sld [smem:$0x3FA9]  }
0x30: {  	s3 =	sld [smem:$0x3FAC]  }
0x31: {  	[smem:$0x3FB5] =	sst s10  }
0x32: {  	s10 =	sld [smem:$0x3FB3];
	_ =	sdelay $0x3  }
0x33: {  	p0 =	seq.s32 s10, $0x1;
	s10 =	sld [smem:$0x3FB5];
	_ =	sdelay $0x3  }
0x34: {  	[smem:$0x3FB5] =	sst s10  }
0x35: {  	s10 =	sld [smem:$0x3FB4];
	_ =	sdelay $0x3  }
0x36: {  	p1 =	seq.s32 s10, $0x1;
	s10 =	sld [smem:$0x3FB5];
	_ =	sdelay $0x3  }
0x37: {  	[smem:$0x3FB5] =	sst s10  }
0x38: {  	s10 =	sld [smem:$0x3FB6]  }
0x39: {  	_ = 	snop;
	(pc) =	sbr.ind lr, $3  }
0x3a: {  	_ = 	snop  }
0x3b: {  	_ = 	snop  }
0x3c: {  	p2 =	seq.s32 s10, $0x1;
	s10 =	sld [smem:$0x3FB5]  }
0x3d: {  	_ =	shalt  }
0x3e: {  	_ =	shalt  }
0x3f: {  	_ =	shalt  }
0x40: {  	_ =	shalt  }
0x41: {  	_ =	shalt  }
0x42: {  	_ =	shalt  }
0x43: {  	_ =	shalt  }
0x44: {  	_ =	shalt  }
0x45: {  	_ =	shalt  }
0x46: {  	_ =	shalt  }
0x47: {  	_ =	shalt  }
0x48: {  	_ =	shalt  }
0x49: {  	_ =	shalt  }
0x4a: {  	_ =	shalt  }
0x4b: {  	_ =	shalt  }
0x4c: {  	_ =	shalt  }
0x4d: {  	_ =	shalt  }
0x4e: {  	_ =	shalt  }
0x4f: {  	_ =	shalt  }
0x50: {  	_ =	shalt  }
0x51: {  	_ =	shalt  }
0x52: {  	_ =	shalt  }
0x53: {  	_ =	shalt  }
0x54: {  	_ =	shalt  }
0x55: {  	_ =	shalt  }
0x56: {  	_ =	shalt  }
0x57: {  	_ =	shalt  }
0x58: {  	_ =	shalt  }
0x59: {  	_ =	shalt  }
0x5a: {  	_ =	shalt  }
0x5b: {  	_ =	shalt  }
0x5c: {  	_ =	shalt  }
0x5d: {  	_ =	shalt  }
0x5e: {  	_ =	shalt  }
0x5f: {  	_ =	shalt  }
0x60: {  	_ =	shalt  }
0x61: {  	_ =	shalt  }
0x62: {  	_ =	shalt  }
0x63: {  	_ =	shalt  }
0x64: {  	_ =	shalt  }
0x65: {  	_ =	shalt  }
0x66: {  	_ =	shalt  }
0x67: {  	_ =	shalt  }
0x68: {  	_ =	shalt  }
0x69: {  	_ =	shalt  }
0x6a: {  	_ =	shalt  }
0x6b: {  	_ =	shalt  }
0x6c: {  	_ =	shalt  }
0x6d: {  	_ =	shalt  }
0x6e: {  	_ =	shalt  }
0x6f: {  	_ =	shalt  }
0x70: {  	_ =	shalt  }
0x71: {  	_ =	shalt  }
0x72: {  	_ =	shalt  }
0x73: {  	_ =	shalt  }
0x74: {  	_ =	shalt  }
0x75: {  	_ =	shalt  }
0x76: {  	_ =	shalt  }
0x77: {  	_ =	shalt  }
0x78: {  	_ =	shalt  }
0x79: {  	_ =	shalt  }
0x7a: {  	_ =	shalt  }
0x7b: {  	_ =	shalt  }
0x7c: {  	_ =	shalt  }
0x7d: {  	_ =	shalt  }
0x7e: {  	_ =	shalt  }
0x7f: {  	_ =	shalt  }
0x80: {  	_ =	shalt  }
0x81: {  	_ =	shalt  }
0x82: {  	_ =	shalt  }
0x83: {  	_ =	shalt  }
0x84: {  	_ =	shalt  }
0x85: {  	_ =	shalt  }
0x86: {  	_ =	shalt  }
0x87: {  	_ =	shalt  }
.Lfunc_end0:
.L_simem_size_0:
called_computation_lowered:
.L_overlay_start_0:
0x88: {  	s2 =	sld [smem:$0x3FD9]  }
0x89: {  	s3 =	sld [smem:$0x3FFE];
	_ =	sdelay $0x1  }
0x8a: {  	s1 =	srdreg.scid  }
0x8b: {  	s0 =	sand.u32 $0x1, s1  }
0x8c: {  	s16 =	sshll.u32 s0, $0xA;
	s2 =	sadd.s32 s3, s2  }
0x8d: {  	s2 =	sadd.s32 s2, s16  }
0x8e: {  	[smem:$0x3FC1] =	sst s2  }
0x8f: {  	_ = 	snop  }
0x90: {  	(tm) =	ssettm $0x1  }
0x91: {  	s17 =	sld [smem:$0x3FFB];
	_ =	sdelay $0x3  }
0x92: {  	_ =	strace s17  }
0x93: {  	s2 =	sld [smem:$0x3FFC];
	_ =	sdelay $0x3  }
0x94: {  	_ =	strace s2  }
0x95: {  	s2 =	sld [smem:$0x3FFD];
	_ =	sdelay $0x3  }
0x96: {  	_ =	strace s2  }
0x97: {  	_ =	strace $0x8FFFFFFF  }
0x98: {  	s18 =	sld [smem:$0x3FDB];
	_ =	sdelay $0x1  }
0x99: {  	s19 =	simm.s32 $_scs_section_size  }
0x9a: {  	s4 =	simm.s32 $_size__tile_overlayer_lowered;
	s5 =	simm.s32 $_tile_overlayer_lowered  }
0x9b: {  	s22 =	simm.s32 $0x1BFF;
	s21 =	sshll.u32 s5, $0x1;
	s2 =	sadd.s32 s19, s18  }
0x9c: {  	s6 =	simm.s32 $0x0;
	s20 =	sshll.u32 s4, $0x1;
	s4 =	sadd.s32 s21, s2  }
0x9d: {  	[timem:s6], [sflag:s22] =	dma.local [hbm:s4], s20  }
0x9e: {  	_ =	swait.ge [sflag:s22], s20  }
0x9f: {  	s3 =	ssub.s32 $0x0, s20;
	[sflag:s22] =	ssyncset.done $0x0  }
0xa0: {  	[sflag:s22] =	ssyncadd.s32 s3;
	_ =	sdelay $0x1  }
0xa1: {  	s23 =	simm.s32 $0x1B8B  }
0xa2: {  	_ =	swait.ge [sflag:s23], $0x1  }
0xa3: {  	[sflag:s23] =	ssyncset.done $0x0  }
0xa4: {  	s25 =	simm.s32 $0x1B8E;
	s24 =	sld [smem:$0x3FFE];
	[sflag:s23] =	ssyncadd.s32 $0xFFFFFFFF  }
0xa5: {  	s26 =	simm.s32 $execute0_lowered;
	[smem:$0x3FD2] =	sst s25  }
0xa6: {  	s4 =	sshll.u32 s26, $0x1;
	_ =	strace $0x80000046;
	[dreg:$0x1] =	wrdreg $0xFFFFFFFF  }
0xa7: {  	s28 =	simm.s32 $_size_execute0_lowered;
	s2 =	sadd.s32 s2, s4;
	[dreg:$0x0] =	wrdreg $0x0  }
0xa8: {  	s4 =	sshll.u32 s28, $0x1;
	[dreg:$0x2] =	wrdreg s2  }
0xa9: {  	[dreg:$0x3] =	wrdreg s4  }
0xaa: {  	[dreg:$0x4] =	wrdreg $0xC0  }
0xab: {  	_ =	task [dreg:s6], $0x5FFFF  }
0xac: {  	[dreg:$0x1] =	wrdreg $0xFFFFFFFF  }
0xad: {  	[dreg:$0x0] =	wrdreg $0x60  }
0xae: {  	[dreg:$0x2] =	wrdreg s24  }
0xaf: {  	[dreg:$0x3] =	wrdreg $0x9  }
0xb0: {  	_ =	task.clear_ibuf [dreg:s6], $0x4FFFF;
	_ =	strace $0x90000046  }
0xb1: {  	s29 =	simm.s32 $0x9;
	_ =	strace $0x80000048  }
0xb2: {  	_ =	swait.ge [sflag:s29], $0x1  }
0xb3: {  	[sflag:s29] =	ssyncadd.s32 $0xFFFFFFFF  }
0xb4: {  	_ =	strace $0x90000048  }
0xb5: {  	_ =	sfence  }
0xb6: {  	s30 =	sld [smem:$0x0];
	_ =	sdelay $0x2  }
0xb7: {  	s31 =	sshll.u32 s1, $0xD;
	s1 =	sshrl.u32 s1, $0x2  }
0xb8: {  	s3 =	sand.u32 $0x4000, s31;
	s1 =	sadd.s32 s1, s30  }
0xb9: {  	s0 =	sor.u32 s3, s0;
	s1 =	sshll.u32 s1, $0x11  }
0xba: {  	s0 =	sor.u32 s1, s0  }
0xbb: {  	s0 =	sadd.s32 $0x8F2B, s0  }
0xbc: {  	[sflag:s0] =	ssyncadd.remote.s32 $0x1  }
0xbd: {  	_ =	sfence.sel $0xFFFF  }
0xbe: {  	[dreg:$0x0] =	wrdreg $0xFFFFFFFF;
	(pc) =	sbr.abs _section_cstart, $3  }
0xbf: {  	[dreg:$0x1] =	wrdreg $0xFFFFFFFF  }
0xc0: {  	_ =	task.clear_ibuf [dreg:s6], $0x2FFFF;
	_ =	strace $0x9FFFFFFF  }
0xc1: {  	(tm) =	ssettm $0x7FFFFFFF  }
tec
execute0_lowered:
.L_overlay_start_1:
0x0: {  	(tag) =	ssettag $0x1  }
0x1: {  	s4 =	rddreg [dreg:$0x0]  }
0x2: {  	s0 =	rddreg [dreg:$0x1];
	s3 =	srdreg.scid  }
0x3: {  	s1 =	stileid.u32;
	s2 =	simm.s32 $0x0;
	s10 =	simm.s32 $0x7400  }
0x4: {  	s11 =	simm.s32 $0x8400;
	s12 =	simm.s32 $0x9400;
	s13 =	simm.s32 $0xA400  }
0x5: {  	s14 =	simm.s32 $0xB400;
	s15 =	simm.s32 $0xC400;
	s16 =	simm.s32 $0xD400  }
0x6: {  	s17 =	simm.s32 $0x1;
	s18 =	simm.s32 $0x0;
	s3 =	sand.u32 $0x1, s3  }
0x7: {  	s5 =	smul.u32 $0x190000, s1;
	[smem:$0x7FF] =	sst s2;
	s6 =	sshll.u32 s1, $0x1  }
0x8: {  	s7 =	smul.u32 $0xC8000, s3;
	s6 =	sor.u32 s3, s6;
	s30 =	ssub.s32 $0x2, s3  }
0x9: {  	_ =	strace $0x80000047;
	s6 =	smul.u32 $0xC80, s6;
	s8 =	sshrl.u32 s30, $0x1  }
0xa: {  	s3 =	sadd.s32 $0xF43200, s4;
	s5 =	sadd.s32 s7, s5;
	s31 =	ssub.s32 s30, s8  }
0xb: {  	s7 =	simm.s32 $0x2;
	s5 =	sshrl.u32 s5, $0x3;
	s6 =	sadd.s32 s6, s4  }
0xc: {  	s8 =	simm.s32 $0x80;
	s9 =	sadd.s32 s5, s4;
	s4 =	sadd.s32 $0xE00, s6  }
0xd: {  	s5 =	smax.u32 s31, $0x1;
	s6 =	sadd.s32 $0x19E00, s9;
	s9 =	simm.s32 $0x6400  }
.LBB2_1:
0xe: {  	[tilespmem:s2], [sflag:$0x2] =	stream.linear.gather [hbm4b:s4+s2], $0x6400, $0x38;
	[tilespmem:$0xE400] =	vst v63  }
0xf: {  	_ =	swait.ge [sflag:s7], $0x6400  }
0x10: {  	[sflag:s7] =	ssyncset.done $0x0  }
0x11: {  	s19 =	simm.s32 $0x0;
	[sflag:s7] =	ssyncadd.s32 $0xFFFF9C00  }
0x12: {  	[tilespmem:s9], [sflag:$0x1] =	stream.indirect.gather [hbm4b:s3+s8], $0x20, s19, s8, $0xb8;
	[tilespmem:$0xE400] =	vst v63  }
0x13: {  	s23 =	simm.s32 $0x80  }
0x14: {  	[tilespmem:s10], [sflag:$0x1] =	stream.indirect.gather [hbm4b:s3+s8], $0x20, s23, s8, $0xb8;
	[tilespmem:$0xE400] =	vst v63  }
0x15: {  	s24 =	simm.s32 $0x100  }
0x16: {  	[tilespmem:s11], [sflag:$0x1] =	stream.indirect.gather [hbm4b:s3+s8], $0x20, s24, s8, $0xb8;
	[tilespmem:$0xE400] =	vst v63  }
0x17: {  	s25 =	simm.s32 $0x180  }
0x18: {  	[tilespmem:s12], [sflag:$0x1] =	stream.indirect.gather [hbm4b:s3+s8], $0x20, s25, s8, $0xb8;
	[tilespmem:$0xE400] =	vst v63  }
0x19: {  	s26 =	simm.s32 $0x200  }
0x1a: {  	[tilespmem:s13], [sflag:$0x1] =	stream.indirect.gather [hbm4b:s3+s8], $0x20, s26, s8, $0xb8;
	[tilespmem:$0xE400] =	vst v63  }
0x1b: {  	s28 =	simm.s32 $0x280  }
0x1c: {  	[tilespmem:s14], [sflag:$0x1] =	stream.indirect.gather [hbm4b:s3+s8], $0x20, s28, s8, $0xb8;
	[tilespmem:$0xE400] =	vst v63  }
0x1d: {  	s29 =	simm.s32 $0x300  }
0x1e: {  	[tilespmem:s15], [sflag:$0x1] =	stream.indirect.gather [hbm4b:s3+s8], $0x20, s29, s8, $0xb8;
	[tilespmem:$0xE400] =	vst v63  }
0x1f: {  	s30 =	simm.s32 $0x380  }
0x20: {  	[tilespmem:s16], [sflag:$0x1] =	stream.indirect.gather [hbm4b:s3+s8], $0x20, s30, s8, $0xb8;
	[tilespmem:$0xE400] =	vst v63  }
0x21: {  	_ =	swait.ge [sflag:s17], $0x1000  }
0x22: {  	[sflag:s17] =	ssyncset.done $0x0  }
0x23: {  	[sflag:s17] =	ssyncadd.s32 $0xFFFFF000  }
0x24: {  	_ =	swait.ge [sflag:s17], $0x1000  }
0x25: {  	[sflag:s17] =	ssyncset.done $0x0  }
0x26: {  	[sflag:s17] =	ssyncadd.s32 $0xFFFFF000  }
0x27: {  	_ =	swait.ge [sflag:s17], $0x1000  }
0x28: {  	[sflag:s17] =	ssyncset.done $0x0  }
0x29: {  	[sflag:s17] =	ssyncadd.s32 $0xFFFFF000  }
0x2a: {  	_ =	swait.ge [sflag:s17], $0x1000  }
0x2b: {  	[sflag:s17] =	ssyncset.done $0x0  }
0x2c: {  	[sflag:s17] =	ssyncadd.s32 $0xFFFFF000  }
0x2d: {  	_ =	swait.ge [sflag:s17], $0x1000  }
0x2e: {  	[sflag:s17] =	ssyncset.done $0x0  }
0x2f: {  	[sflag:s17] =	ssyncadd.s32 $0xFFFFF000  }
0x30: {  	_ =	swait.ge [sflag:s17], $0x1000  }
0x31: {  	[sflag:s17] =	ssyncset.done $0x0  }
0x32: {  	[sflag:s17] =	ssyncadd.s32 $0xFFFFF000  }
0x33: {  	_ =	swait.ge [sflag:s17], $0x1000  }
0x34: {  	[sflag:s17] =	ssyncset.done $0x0  }
0x35: {  	[sflag:s17] =	ssyncadd.s32 $0xFFFFF000  }
0x36: {  	_ =	swait.ge [sflag:s17], $0x1000  }
0x37: {  	[sflag:s17] =	ssyncset.done $0x0  }
0x38: {  	s31 =	sadd.s32 $0x0, s6;
	[sflag:s17] =	ssyncadd.s32 $0xFFFFF000  }
0x39: {  	[hbm4b:s31+s2] =	stream.linear.scatter [tilespmem:s9], [sflag:$0x2], $0x8000, $0x38;
	[tilespmem:$0xE400] =	vst v63  }
0x3a: {  	_ =	swait.ge [sflag:s7], $0x8000  }
0x3b: {  	s22 =	simm.s32 $0x2000;
	s19 =	simm.s32 $0x1000;
	[sflag:s7] =	ssyncset.done $0x0  }
.LBB2_2:
0x3c: {  	s23 =	sshra.s32 s19, $0x2  }
0x3d: {  	[sflag:s7] =	ssyncadd.s32 $0xFFFF8000;
	s21 =	smov.u32 s22;
	s20 =	sadd.s32 $0x1000, s22  }
0x3e: {  	[tilespmem:s9], [sflag:$0x1] =	stream.indirect.gather [hbm4b:s3+s8], $0x20, s23, s8, $0xb8;
	[tilespmem:$0xE400] =	vst v63  }
0x3f: {  	p0 =	sne.s32 s22, $0x18000;
	s22 =	sadd.s32 $0x80, s23  }
0x40: {  	[tilespmem:s10], [sflag:$0x1] =	stream.indirect.gather [hbm4b:s3+s8], $0x20, s22, s8, $0xb8;
	[tilespmem:$0xE400] =	vst v63  }
0x41: {  	s22 =	sadd.s32 $0x100, s23  }
0x42: {  	[tilespmem:s11], [sflag:$0x1] =	stream.indirect.gather [hbm4b:s3+s8], $0x20, s22, s8, $0xb8;
	[tilespmem:$0xE400] =	vst v63  }
0x43: {  	s22 =	sadd.s32 $0x180, s23  }
0x44: {  	[tilespmem:s12], [sflag:$0x1] =	stream.indirect.gather [hbm4b:s3+s8], $0x20, s22, s8, $0xb8;
	[tilespmem:$0xE400] =	vst v63  }
0x45: {  	s22 =	sadd.s32 $0x200, s23  }
0x46: {  	[tilespmem:s13], [sflag:$0x1] =	stream.indirect.gather [hbm4b:s3+s8], $0x20, s22, s8, $0xb8;
	[tilespmem:$0xE400] =	vst v63  }
0x47: {  	s22 =	sadd.s32 $0x280, s23  }
0x48: {  	[tilespmem:s14], [sflag:$0x1] =	stream.indirect.gather [hbm4b:s3+s8], $0x20, s22, s8, $0xb8;
	[tilespmem:$0xE400] =	vst v63  }
0x49: {  	s22 =	sadd.s32 $0x300, s23  }
0x4a: {  	[tilespmem:s15], [sflag:$0x1] =	stream.indirect.gather [hbm4b:s3+s8], $0x20, s22, s8, $0xb8;
	[tilespmem:$0xE400] =	vst v63  }
0x4b: {  	s22 =	sadd.s32 $0x380, s23  }
0x4c: {  	[tilespmem:s16], [sflag:$0x1] =	stream.indirect.gather [hbm4b:s3+s8], $0x20, s22, s8, $0xb8;
	[tilespmem:$0xE400] =	vst v63  }
0x4d: {  	_ =	swait.ge [sflag:s17], $0x1000  }
0x4e: {  	[sflag:s17] =	ssyncset.done $0x0  }
0x4f: {  	[sflag:s17] =	ssyncadd.s32 $0xFFFFF000  }
0x50: {  	_ =	swait.ge [sflag:s17], $0x1000  }
0x51: {  	[sflag:s17] =	ssyncset.done $0x0  }
0x52: {  	[sflag:s17] =	ssyncadd.s32 $0xFFFFF000  }
0x53: {  	_ =	swait.ge [sflag:s17], $0x1000  }
0x54: {  	[sflag:s17] =	ssyncset.done $0x0  }
0x55: {  	[sflag:s17] =	ssyncadd.s32 $0xFFFFF000  }
0x56: {  	_ =	swait.ge [sflag:s17], $0x1000  }
0x57: {  	[sflag:s17] =	ssyncset.done $0x0  }
0x58: {  	[sflag:s17] =	ssyncadd.s32 $0xFFFFF000  }
0x59: {  	_ =	swait.ge [sflag:s17], $0x1000  }
0x5a: {  	[sflag:s17] =	ssyncset.done $0x0  }
0x5b: {  	[sflag:s17] =	ssyncadd.s32 $0xFFFFF000  }
0x5c: {  	_ =	swait.ge [sflag:s17], $0x1000  }
0x5d: {  	[sflag:s17] =	ssyncset.done $0x0  }
0x5e: {  	[sflag:s17] =	ssyncadd.s32 $0xFFFFF000  }
0x5f: {  	_ =	swait.ge [sflag:s17], $0x1000  }
0x60: {  	[sflag:s17] =	ssyncset.done $0x0  }
0x61: {  	[sflag:s17] =	ssyncadd.s32 $0xFFFFF000  }
0x62: {  	_ =	swait.ge [sflag:s17], $0x1000  }
.Ltmp0:
0x63: {  	[sflag:s17] =	ssyncset.done $0x0;
	(pc) =	sbr.rel @p0 .LBB2_2-.Ltmp0, $4  }
0x64: {  	s22 =	sadd.s32 s19, s6;
	s19 =	smov.u32 s21;
	[sflag:s17] =	ssyncadd.s32 $0xFFFFF000  }
0x65: {  	[hbm4b:s22+s2] =	stream.linear.scatter [tilespmem:s9], [sflag:$0x2], $0x8000, $0x38;
	[tilespmem:$0xE400] =	vst v63  }
0x66: {  	_ =	swait.ge [sflag:s7], $0x8000  }
0x67: {  	s22 =	smov.u32 s20;
	[sflag:s7] =	ssyncset.done $0x0  }
0x68: {  	s20 =	sshra.s32 s19, $0x2;
	[sflag:s7] =	ssyncadd.s32 $0xFFFF8000  }
0x69: {  	[tilespmem:s9], [sflag:$0x1] =	stream.indirect.gather [hbm4b:s3+s8], $0x20, s20, s8, $0xb8;
	[tilespmem:$0xE400] =	vst v63  }
0x6a: {  	s21 =	sadd.s32 $0x80, s20  }
0x6b: {  	[tilespmem:s10], [sflag:$0x1] =	stream.indirect.gather [hbm4b:s3+s8], $0x20, s21, s8, $0xb8;
	[tilespmem:$0xE400] =	vst v63  }
0x6c: {  	s25 =	sadd.s32 $0x100, s20  }
0x6d: {  	[tilespmem:s11], [sflag:$0x1] =	stream.indirect.gather [hbm4b:s3+s8], $0x20, s25, s8, $0xb8;
	[tilespmem:$0xE400] =	vst v63  }
0x6e: {  	s26 =	sadd.s32 $0x180, s20  }
0x6f: {  	[tilespmem:s12], [sflag:$0x1] =	stream.indirect.gather [hbm4b:s3+s8], $0x20, s26, s8, $0xb8;
	[tilespmem:$0xE400] =	vst v63  }
0x70: {  	s28 =	sadd.s32 $0x200, s20  }
0x71: {  	[tilespmem:s13], [sflag:$0x1] =	stream.indirect.gather [hbm4b:s3+s8], $0x20, s28, s8, $0xb8;
	[tilespmem:$0xE400] =	vst v63  }
0x72: {  	s29 =	sadd.s32 $0x280, s20  }
0x73: {  	[tilespmem:s14], [sflag:$0x1] =	stream.indirect.gather [hbm4b:s3+s8], $0x20, s29, s8, $0xb8;
	[tilespmem:$0xE400] =	vst v63  }
0x74: {  	s30 =	sadd.s32 $0x300, s20  }
0x75: {  	[tilespmem:s15], [sflag:$0x1] =	stream.indirect.gather [hbm4b:s3+s8], $0x20, s30, s8, $0xb8;
	[tilespmem:$0xE400] =	vst v63  }
0x76: {  	s20 =	sadd.s32 $0x380, s20  }
0x77: {  	[tilespmem:s16], [sflag:$0x1] =	stream.indirect.gather [hbm4b:s3+s8], $0x20, s20, s8, $0xb8;
	[tilespmem:$0xE400] =	vst v63  }
0x78: {  	_ =	swait.ge [sflag:s17], $0x1000  }
0x79: {  	[sflag:s17] =	ssyncset.done $0x0  }
0x7a: {  	[sflag:s17] =	ssyncadd.s32 $0xFFFFF000  }
0x7b: {  	_ =	swait.ge [sflag:s17], $0x1000  }
0x7c: {  	[sflag:s17] =	ssyncset.done $0x0  }
0x7d: {  	[sflag:s17] =	ssyncadd.s32 $0xFFFFF000  }
0x7e: {  	_ =	swait.ge [sflag:s17], $0x1000  }
0x7f: {  	[sflag:s17] =	ssyncset.done $0x0  }
0x80: {  	[sflag:s17] =	ssyncadd.s32 $0xFFFFF000  }
0x81: {  	_ =	swait.ge [sflag:s17], $0x1000  }
0x82: {  	[sflag:s17] =	ssyncset.done $0x0  }
0x83: {  	[sflag:s17] =	ssyncadd.s32 $0xFFFFF000  }
0x84: {  	_ =	swait.ge [sflag:s17], $0x1000  }
0x85: {  	[sflag:s17] =	ssyncset.done $0x0  }
0x86: {  	[sflag:s17] =	ssyncadd.s32 $0xFFFFF000  }
0x87: {  	_ =	swait.ge [sflag:s17], $0x1000  }
0x88: {  	[sflag:s17] =	ssyncset.done $0x0  }
0x89: {  	[sflag:s17] =	ssyncadd.s32 $0xFFFFF000  }
0x8a: {  	_ =	swait.ge [sflag:s17], $0x1000  }
0x8b: {  	[sflag:s17] =	ssyncset.done $0x0  }
0x8c: {  	[sflag:s17] =	ssyncadd.s32 $0xFFFFF000  }
0x8d: {  	s18 =	sadd.s32 $0x1, s18;
	_ =	swait.ge [sflag:s17], $0x1000  }
0x8e: {  	p0 =	sne.s32 s18, s5;
	[sflag:s17] =	ssyncset.done $0x0  }
.Ltmp1:
0x8f: {  	s31 =	sadd.s32 s19, s6;
	[sflag:s17] =	ssyncadd.s32 $0xFFFFF000;
	(pc) =	sbr.rel @p0 .LBB2_1-.Ltmp1, $4  }
0x90: {  	[hbm4b:s31+s2] =	stream.linear.scatter [tilespmem:s9], [sflag:$0x2], $0x8000, $0x38;
	[tilespmem:$0xE400] =	vst v63  }
0x91: {  	_ =	swait.ge [sflag:s7], $0x8000  }
0x92: {  	[sflag:s7] =	ssyncset.done $0x0  }
0x93: {  	[sflag:s7] =	ssyncadd.s32 $0xFFFF8000  }
0x94: {  	_ =	sfence.sel $0x180000  }
0x95: {  	[bflag:$0x0] =	sbarrier.arrive $0xFFFF  }
0x96: {  	p0 =	sne.s32 s1, $0x0;
	_ =	strace $0x90000047  }
0x97: {  	s0 =	sadd.s32 @!p0 $0x100000, s0;
	[bflag:$0x2] =	sbarrier.arrive $0xFFFF  }
0x98: {  	[sflag:s0] =	ssyncadd.tile.s32 @!p0 $0x1;
	_ =	shalt  }
.Lfunc_end2:
_tile_overlayer_lowered:
.L_overlay_start_2:
0x99: {  	(tag) =	ssettag $0x2  }
0x9a: {  	s0 =	rddreg [dreg:$0x0];
	s2 =	stileid.u32  }
0x9b: {  	s1 =	rddreg [dreg:$0x1];
	p0 =	sne.s32 s2, $0x0  }
0x9c: {  	s3 =	rddreg [dreg:$0x2];
	[bflag:$0x3] =	sbarrier.arrive $0xFFFF;
	s2 =	simm.s32 @!p0 $0x1C02  }
0x9d: {  	[timem:s3], [sflag:s2] =	dma.local @!p0 [hbm:s0], s1  }
0x9e: {  	s0 =	simm.s32 @!p0 $0x2  }
0x9f: {  	_ =	swait.ge @!p0 [sflag:s0], s1  }
0xa0: {  	s1 =	ssub.s32 @!p0 $0x0, s1;
	[sflag:s0] =	ssyncset.done @!p0 $0x0  }
0xa1: {  	[sflag:s0] =	ssyncadd.s32 @!p0 s1  }
0xa2: {  	[bflag:$0x3] =	sbarrier.arrive $0xFFFF  }
0xa3: {  	_ =	shalt  }

</sc_bundles>
